<compile_context>
chip_gen: v7x
topology: tpu7x:2x2x1
jax: 0.10.2.dev20260603
libtpu: 0.0.44.dev20260713+nightly
codegen_flags: <defaults>
</compile_context>

<pallas_src>
import functools

import numpy as np
import jax
import jax.numpy as jnp
from jax import lax
from jax.experimental import pallas as pl
from jax.experimental.pallas import tpu as pltpu
from jax.experimental.pallas import tpu_sc as plsc

N, D = 10000, 128
NP = 10240
E = 320000
NC, NS = 2, 16
NW = NC * NS
CHUNK = 128
NCHUNK = 80
EPW = CHUNK * NCHUNK
EP = EPW * NW
RPT = NP // NS
LAST = N - (NS - 1) * RPT
BN_EPS = 1e-5

_PAD_SRC = np.arange(EP - E, dtype=np.int32) % 9984
_PAD_DST = N + np.arange(EP - E, dtype=np.int32) % (NP - N)


def _sc_aggregate(x, src_r, dst_r):
  mesh = plsc.VectorSubcoreMesh(
      core_axis_name="c", subcore_axis_name="s",
      num_cores=NC, num_subcores=NS)

  @functools.partial(
      pl.kernel,
      out_type=jax.ShapeDtypeStruct((NC, N, D), jnp.float32),
      mesh=mesh,
      scratch_types=[
          pltpu.VMEM((EPW,), jnp.int32),
          pltpu.VMEM((CHUNK,), jnp.int32),
          pltpu.VMEM((CHUNK,), jnp.int32),
          pltpu.VMEM((CHUNK, D), jnp.float32),
          pltpu.VMEM((CHUNK, D), jnp.float32),
          pltpu.VMEM_SHARED((NP, D), jnp.float32),
          pltpu.SemaphoreType.DMA,
          pltpu.SemaphoreType.DMA,
          pltpu.SemaphoreType.DMA,
          pltpu.SemaphoreType.DMA,
          pltpu.SemaphoreType.DMA,
      ],
  )
  def agg_kernel(x_hbm, src_hbm, dst_hbm, out_hbm, src_v,
                 idst_a, idst_b, rows_a, rows_b, acc,
                 gsem_a, gsem_b, dsem_a, dsem_b, ssem):
    c = lax.axis_index("c")
    s = lax.axis_index("s")
    w = c * NS + s
    stage = pltpu.async_copy(src_hbm.at[pl.ds(w * EPW, EPW)], src_v, ssem)

    def gather_start(j, buf, sem):
      pltpu.async_copy(x_hbm.at[src_v.at[pl.ds(j * CHUNK, CHUNK)]], buf, sem)

    def gather_wait(j, buf, sem):
      pltpu.make_async_copy(
          x_hbm.at[src_v.at[pl.ds(j * CHUNK, CHUNK)]], buf, sem).wait()

    def idx_start(j, buf, sem):
      pltpu.async_copy(dst_hbm.at[pl.ds(w * EPW + j * CHUNK, CHUNK)], buf, sem)

    def idx_wait(j, buf, sem):
      pltpu.make_async_copy(
          dst_hbm.at[pl.ds(w * EPW + j * CHUNK, CHUNK)], buf, sem).wait()

    @pl.when(s < NS - 1)
    def _():
      pltpu.sync_copy(x_hbm.at[pl.ds(s * RPT, RPT)],
                      acc.at[pl.ds(s * RPT, RPT)])
    @pl.when(s == NS - 1)
    def _():
      pltpu.sync_copy(x_hbm.at[pl.ds((NS - 1) * RPT, LAST)],
                      acc.at[pl.ds((NS - 1) * RPT, LAST)])
    stage.wait()
    plsc.subcore_barrier()

    idx_start(0, idst_a, dsem_a)
    idx_start(1, idst_b, dsem_b)
    gather_start(0, rows_a, gsem_a)
    gather_start(1, rows_b, gsem_b)

    def body(i, carry):
      b = 2 * i
      gather_wait(b, rows_a, gsem_a)
      idx_wait(b, idst_a, dsem_a)
      pltpu.sync_copy(rows_a, acc.at[idst_a], add=True)
      idx_start(b + 2, idst_a, dsem_a)
      gather_start(b + 2, rows_a, gsem_a)
      gather_wait(b + 1, rows_b, gsem_b)
      idx_wait(b + 1, idst_b, dsem_b)
      pltpu.sync_copy(rows_b, acc.at[idst_b], add=True)
      idx_start(b + 3, idst_b, dsem_b)
      gather_start(b + 3, rows_b, gsem_b)
      return carry

    lax.fori_loop(0, NCHUNK // 2 - 1, body, 0)
    gather_wait(NCHUNK - 2, rows_a, gsem_a)
    idx_wait(NCHUNK - 2, idst_a, dsem_a)
    pltpu.sync_copy(rows_a, acc.at[idst_a], add=True)
    gather_wait(NCHUNK - 1, rows_b, gsem_b)
    idx_wait(NCHUNK - 1, idst_b, dsem_b)
    pltpu.sync_copy(rows_b, acc.at[idst_b], add=True)

    plsc.subcore_barrier()
    @pl.when(s < NS - 1)
    def _():
      pltpu.sync_copy(acc.at[pl.ds(s * RPT, RPT)],
                      out_hbm.at[c, pl.ds(s * RPT, RPT)])
    @pl.when(s == NS - 1)
    def _():
      pltpu.sync_copy(acc.at[pl.ds((NS - 1) * RPT, LAST)],
                      out_hbm.at[c, pl.ds((NS - 1) * RPT, LAST)])

  return agg_kernel(x, src_r, dst_r)


def _mlp_body(eps_ref, x_ref, p_ref, w1_ref, b1_ref, g1_ref,
              be1_ref, w2_ref, b2_ref, g2_ref, be2_ref, o_ref):
  eps = eps_ref[0]
  h = p_ref[0] + p_ref[1] + (eps - 1.0) * x_ref[...]
  h = lax.dot_general(h, w1_ref[...], (((1,), (1,)), ((), ())),
                      preferred_element_type=jnp.float32)
  h = h + b1_ref[...]
  mu = jnp.mean(h, axis=0, keepdims=True)
  var = jnp.mean((h - mu) ** 2, axis=0, keepdims=True)
  h = (h - mu) / jnp.sqrt(var + BN_EPS) * g1_ref[...] + be1_ref[...]
  h = jnp.maximum(h, 0.0)
  h = lax.dot_general(h, w2_ref[...], (((1,), (1,)), ((), ())),
                      preferred_element_type=jnp.float32)
  h = h + b2_ref[...]
  mu = jnp.mean(h, axis=0, keepdims=True)
  var = jnp.mean((h - mu) ** 2, axis=0, keepdims=True)
  h = (h - mu) / jnp.sqrt(var + BN_EPS) * g2_ref[...] + be2_ref[...]
  o_ref[...] = jnp.maximum(h, 0.0)


def _mlp(eps, x, parts, W1, b1, g1, be1, W2, b2, g2, be2):
  vspec = pl.BlockSpec(memory_space=pltpu.VMEM)
  return pl.pallas_call(
      _mlp_body,
      out_shape=jax.ShapeDtypeStruct((N, D), jnp.float32),
      in_specs=[pl.BlockSpec(memory_space=pltpu.SMEM)] + [vspec] * 10,
      out_specs=vspec,
  )(eps, x, parts, W1, b1, g1, be1, W2, b2, g2, be2)


def kernel(x, edge_index, eps, W1, b1, g1, be1, W2, b2, g2, be2):
  ei = edge_index.astype(jnp.int32)
  src = jnp.concatenate([ei[0], jnp.asarray(_PAD_SRC)])
  dst = jnp.concatenate([ei[1], jnp.asarray(_PAD_DST)])
  parts = _sc_aggregate(x, src, dst)
  row = lambda v: v.reshape(1, D)
  return _mlp(eps.reshape(1), x, parts,
              W1, row(b1), row(g1), row(be1), W2, row(b2), row(g2), row(be2))

# --- scband reference (transcript-rebuilt; emitter-appended) ---
"""Pipeline reference for scband-ginblock-90898687852683 (READ-ONLY COPY).

The authoritative reference and input builder live on the scoring server;
editing this copy changes nothing except your own understanding.
"""

import jax, jax.numpy as jnp
import numpy as np

BN_EPS = 1e-5


def setup_inputs(seed: int = 0) -> dict:
    key = jax.random.key(seed)
    ks = jax.random.split(key, 12)
    N, D = 10000, 128
    E = 320000
    x = jax.random.normal(ks[0], (N, D), dtype=jnp.float32)
    edge_index = jax.random.randint(ks[1], (2, E), 0, N, dtype=jnp.int64)
    # GIN epsilon (train_eps=True -> learnable scalar, init 0.0)
    eps = jnp.zeros((), dtype=jnp.float32)
    # MLP: Linear(128,128) -> BatchNorm1d(128) -> ReLU -> Linear(128,128)
    s1 = 1.0 / np.sqrt(D)
    W1 = jax.random.uniform(ks[2], (D, D), dtype=jnp.float32, minval=-s1, maxval=s1)
    b1 = jax.random.uniform(ks[3], (D,), dtype=jnp.float32, minval=-s1, maxval=s1)
    g1 = jnp.ones((D,), dtype=jnp.float32)
    be1 = jnp.zeros((D,), dtype=jnp.float32)
    W2 = jax.random.uniform(ks[4], (D, D), dtype=jnp.float32, minval=-s1, maxval=s1)
    b2 = jax.random.uniform(ks[5], (D,), dtype=jnp.float32, minval=-s1, maxval=s1)
    # outer BatchNorm1d(128)
    g2 = jnp.ones((D,), dtype=jnp.float32)
    be2 = jnp.zeros((D,), dtype=jnp.float32)
    return {"x": x, "edge_index": edge_index, "eps": eps,
            "W1": W1, "b1": b1, "g1": g1, "be1": be1,
            "W2": W2, "b2": b2, "g2": g2, "be2": be2}


def _batchnorm(h, gamma, beta):
    mu = jnp.mean(h, axis=0)
    var = jnp.mean((h - mu) ** 2, axis=0)  # biased variance (training mode)
    return (h - mu) / jnp.sqrt(var + BN_EPS) * gamma + beta


def reference(x, edge_index, eps, W1, b1, g1, be1, W2, b2, g2, be2):
    src = edge_index[0]
    dst = edge_index[1]
    # GIN sum aggregation: messages x[src] scatter-added to dst nodes
    agg = jnp.zeros_like(x).at[dst].add(x[src])
    h = (1.0 + eps) * x + agg
    # MLP
    h = h @ W1.T + b1
    h = _batchnorm(h, g1, be1)
    h = jnp.maximum(h, 0.0)
    h = h @ W2.T + b2
    # outer batch norm + relu
    h = _batchnorm(h, g2, be2)
    h = jnp.maximum(h, 0.0)
    return h

if __name__ == "__main__":
    import jax
    _d = setup_inputs()
    print(jax.jit(kernel)(*tuple(_d.values())))

</pallas_src>

<mosaic_0001>
#map = affine_map<(d0, d1) -> (0, 0)>
#map1 = affine_map<(d0, d1) -> (0)>
#map2 = affine_map<(d0, d1) -> (0, 0, 0)>
module attributes {stable_mosaic.version = 14 : i64} {
  func.func @agg_kernel(%arg0: i32, %arg1: i32, %arg2: memref<10000x128xf32, #tpu.memory_space<hbm>>, %arg3: memref<327680xi32, #tpu.memory_space<hbm>>, %arg4: memref<327680xi32, #tpu.memory_space<hbm>>, %arg5: memref<2x10000x128xf32, #tpu.memory_space<hbm>>, %arg6: memref<10240xi32, #tpu.memory_space<vmem>>, %arg7: memref<128xi32, #tpu.memory_space<vmem>>, %arg8: memref<128xi32, #tpu.memory_space<vmem>>, %arg9: memref<128x128xf32, #tpu.memory_space<vmem>>, %arg10: memref<128x128xf32, #tpu.memory_space<vmem>>, %arg11: memref<10240x128xf32, #tpu.memory_space<vmem_shared>>, %arg12: memref<!tpu.dma_semaphore, #tpu.memory_space<semaphore_mem>>, %arg13: memref<!tpu.dma_semaphore, #tpu.memory_space<semaphore_mem>>, %arg14: memref<!tpu.dma_semaphore, #tpu.memory_space<semaphore_mem>>, %arg15: memref<!tpu.dma_semaphore, #tpu.memory_space<semaphore_mem>>, %arg16: memref<!tpu.dma_semaphore, #tpu.memory_space<semaphore_mem>>) attributes {dimension_semantics = [#tpu.dimension_semantics<core_parallel>, #tpu.dimension_semantics<subcore_parallel>], iteration_bounds = array<i64: 2, 16>, scalar_prefetch = 0 : i64, scratch_operands = 11 : i64, tpu.core_type = #tpu.core_type<sc_vector_subcore>, window_params = [{transform_indices = #map}, {transform_indices = #map1}, {transform_indices = #map1}, {transform_indices = #map2}]} {
    %mul3A = arith.constant 16 : i32
    %mul3A_0 = arith.muli %arg0, %mul3A : i32
    %add3A = arith.addi %mul3A_0, %arg1 : i32
    %mul3A_1 = arith.constant 10240 : i32
    %mul3A_2 = arith.muli %add3A, %mul3A_1 : i32
    %dma_start3A = tpu.memref_slice %arg3[%mul3A_2] : memref<327680xi32, #tpu.memory_space<hbm>> -> memref<10240xi32, #tpu.memory_space<hbm>>
    %dma_start3A_3 = tpu.memref_slice %arg3[%mul3A_2] : memref<327680xi32, #tpu.memory_space<hbm>> -> memref<10240xi32, #tpu.memory_space<hbm>>
    tpu.enqueue_dma source(%dma_start3A_3 : memref<10240xi32, #tpu.memory_space<hbm>>) target(%arg6 : memref<10240xi32, #tpu.memory_space<vmem>>) target_semaphore(%arg16 : memref<!tpu.dma_semaphore, #tpu.memory_space<semaphore_mem>>)
    %lt3A = arith.constant 15 : i32
    %lt3A_4 = arith.cmpi slt, %arg1, %lt3A : i32
    %convert_element_type3A = arith.extui %lt3A_4 : i1 to i32
    %cond3A = arith.constant 0 : i32
    %cond3A_5 = arith.cmpi ne, %convert_element_type3A, %cond3A : i32
    scf.if %cond3A_5 {
      %mul3A_71 = arith.constant 640 : i32
      %mul3A_72 = arith.muli %arg1, %mul3A_71 : i32
      %mul3A_73 = arith.constant 640 : i32
      %mul3A_74 = arith.muli %arg1, %mul3A_73 : i32
      "tpu.region"() ({
        %run_scoped3A = tpu.sem_alloc : memref<!tpu.dma_semaphore, #tpu.memory_space<semaphore_mem>>
        %dma_start3A_75 = arith.constant 0 : i32
        %dma_start3A_76 = tpu.memref_slice %arg11[%mul3A_74, %dma_start3A_75] : memref<10240x128xf32, #tpu.memory_space<vmem_shared>> -> memref<640x128xf32, #tpu.memory_space<vmem_shared>>
        %dma_start3A_77 = arith.constant 0 : i32
        %dma_start3A_78 = tpu.memref_slice %arg2[%mul3A_72, %dma_start3A_77] : memref<10000x128xf32, #tpu.memory_space<hbm>> -> memref<640x128xf32, #tpu.memory_space<hbm>>
        tpu.enqueue_dma source(%dma_start3A_78 : memref<640x128xf32, #tpu.memory_space<hbm>>) target(%dma_start3A_76 : memref<640x128xf32, #tpu.memory_space<vmem_shared>>) target_semaphore(%run_scoped3A : memref<!tpu.dma_semaphore, #tpu.memory_space<semaphore_mem>>)
        %dma_wait3A_79 = arith.constant 0 : i32
        %dma_wait3A_80 = tpu.memref_slice %arg11[%mul3A_74, %dma_wait3A_79] : memref<10240x128xf32, #tpu.memory_space<vmem_shared>> -> memref<640x128xf32, #tpu.memory_space<vmem_shared>>
        %dma_wait3A_81 = arith.constant 0 : i32
        %dma_wait3A_82 = tpu.memref_slice %arg2[%mul3A_72, %dma_wait3A_81] : memref<10000x128xf32, #tpu.memory_space<hbm>> -> memref<640x128xf32, #tpu.memory_space<hbm>>
        tpu.wait_dma2 semaphore(%run_scoped3A : memref<!tpu.dma_semaphore, #tpu.memory_space<semaphore_mem>>) src(%dma_wait3A_82 : memref<640x128xf32, #tpu.memory_space<hbm>>) dst(%dma_wait3A_80 : memref<640x128xf32, #tpu.memory_space<vmem_shared>>)
        tpu.yield
      }) : () -> ()
    } else {
    }
    %eq3A = arith.constant 15 : i32
    %eq3A_6 = arith.cmpi eq, %arg1, %eq3A : i32
    %convert_element_type3A_7 = arith.extui %eq3A_6 : i1 to i32
    %cond3A_8 = arith.constant 0 : i32
    %cond3A_9 = arith.cmpi ne, %convert_element_type3A_7, %cond3A_8 : i32
    scf.if %cond3A_9 {
      "tpu.region"() ({
        %run_scoped3A = tpu.sem_alloc : memref<!tpu.dma_semaphore, #tpu.memory_space<semaphore_mem>>
        %dma_start3A_71 = arith.constant 9600 : i32
        %dma_start3A_72 = arith.constant 0 : i32
        %dma_start3A_73 = tpu.memref_slice %arg11[%dma_start3A_71, %dma_start3A_72] : memref<10240x128xf32, #tpu.memory_space<vmem_shared>> -> memref<400x128xf32, #tpu.memory_space<vmem_shared>>
        %dma_start3A_74 = arith.constant 9600 : i32
        %dma_start3A_75 = arith.constant 0 : i32
        %dma_start3A_76 = tpu.memref_slice %arg2[%dma_start3A_74, %dma_start3A_75] : memref<10000x128xf32, #tpu.memory_space<hbm>> -> memref<400x128xf32, #tpu.memory_space<hbm>>
        tpu.enqueue_dma source(%dma_start3A_76 : memref<400x128xf32, #tpu.memory_space<hbm>>) target(%dma_start3A_73 : memref<400x128xf32, #tpu.memory_space<vmem_shared>>) target_semaphore(%run_scoped3A : memref<!tpu.dma_semaphore, #tpu.memory_space<semaphore_mem>>)
        %dma_wait3A_77 = arith.constant 9600 : i32
        %dma_wait3A_78 = arith.constant 0 : i32
        %dma_wait3A_79 = tpu.memref_slice %arg11[%dma_wait3A_77, %dma_wait3A_78] : memref<10240x128xf32, #tpu.memory_space<vmem_shared>> -> memref<400x128xf32, #tpu.memory_space<vmem_shared>>
        %dma_wait3A_80 = arith.constant 9600 : i32
        %dma_wait3A_81 = arith.constant 0 : i32
        %dma_wait3A_82 = tpu.memref_slice %arg2[%dma_wait3A_80, %dma_wait3A_81] : memref<10000x128xf32, #tpu.memory_space<hbm>> -> memref<400x128xf32, #tpu.memory_space<hbm>>
        tpu.wait_dma2 semaphore(%run_scoped3A : memref<!tpu.dma_semaphore, #tpu.memory_space<semaphore_mem>>) src(%dma_wait3A_82 : memref<400x128xf32, #tpu.memory_space<hbm>>) dst(%dma_wait3A_79 : memref<400x128xf32, #tpu.memory_space<vmem_shared>>)
        tpu.yield
      }) : () -> ()
    } else {
    }
    %dma_wait3A = tpu.memref_slice %arg3[%mul3A_2] : memref<327680xi32, #tpu.memory_space<hbm>> -> memref<10240xi32, #tpu.memory_space<hbm>>
    %dma_wait3A_10 = tpu.memref_slice %arg3[%mul3A_2] : memref<327680xi32, #tpu.memory_space<hbm>> -> memref<10240xi32, #tpu.memory_space<hbm>>
    tpu.wait_dma2 semaphore(%arg16 : memref<!tpu.dma_semaphore, #tpu.memory_space<semaphore_mem>>) src(%dma_wait3A_10 : memref<10240xi32, #tpu.memory_space<hbm>>) dst(%arg6 : memref<10240xi32, #tpu.memory_space<vmem>>)
    %barrier3A = arith.constant 0 : index
    tpu.barrier barrier_id(%barrier3A)
    %mul3A_11 = arith.constant 10240 : i32
    %mul3A_12 = arith.muli %add3A, %mul3A_11 : i32
    %add3A_13 = arith.constant 0 : i32
    %add3A_14 = arith.addi %mul3A_12, %add3A_13 : i32
    %dma_start3A_15 = tpu.memref_slice %arg4[%add3A_14] : memref<327680xi32, #tpu.memory_space<hbm>> -> memref<128xi32, #tpu.memory_space<hbm>>
    %dma_start3A_16 = tpu.memref_slice %arg4[%add3A_14] : memref<327680xi32, #tpu.memory_space<hbm>> -> memref<128xi32, #tpu.memory_space<hbm>>
    tpu.enqueue_dma source(%dma_start3A_16 : memref<128xi32, #tpu.memory_space<hbm>>) target(%arg7 : memref<128xi32, #tpu.memory_space<vmem>>) target_semaphore(%arg14 : memref<!tpu.dma_semaphore, #tpu.memory_space<semaphore_mem>>)
    %mul3A_17 = arith.constant 10240 : i32
    %mul3A_18 = arith.muli %add3A, %mul3A_17 : i32
    %add3A_19 = arith.constant 128 : i32
    %add3A_20 = arith.addi %mul3A_18, %add3A_19 : i32
    %dma_start3A_21 = tpu.memref_slice %arg4[%add3A_20] : memref<327680xi32, #tpu.memory_space<hbm>> -> memref<128xi32, #tpu.memory_space<hbm>>
    %dma_start3A_22 = tpu.memref_slice %arg4[%add3A_20] : memref<327680xi32, #tpu.memory_space<hbm>> -> memref<128xi32, #tpu.memory_space<hbm>>
    tpu.enqueue_dma source(%dma_start3A_22 : memref<128xi32, #tpu.memory_space<hbm>>) target(%arg8 : memref<128xi32, #tpu.memory_space<vmem>>) target_semaphore(%arg15 : memref<!tpu.dma_semaphore, #tpu.memory_space<semaphore_mem>>)
    %dma_start3A_23 = arith.constant 0 : i32
    %dma_start3A_24 = tpu.memref_slice %arg6[%dma_start3A_23] : memref<10240xi32, #tpu.memory_space<vmem>> -> memref<128xi32, #tpu.memory_space<vmem>>
    %dma_start3A_25 = arith.constant 0 : i32
    %dma_start3A_26 = arith.constant 0 : i32
    %dma_start3A_27 = tpu.memref_slice %arg2[%dma_start3A_25, %dma_start3A_26] : memref<10000x128xf32, #tpu.memory_space<hbm>> -> memref<10000x128xf32, #tpu.memory_space<hbm>>
    tpu.enqueue_indirect_dma source(%dma_start3A_27 : memref<10000x128xf32, #tpu.memory_space<hbm>>) target(%arg9 : memref<128x128xf32, #tpu.memory_space<vmem>>) offsets(%dma_start3A_24 : memref<128xi32, #tpu.memory_space<vmem>>) semaphore(%arg12 : memref<!tpu.dma_semaphore, #tpu.memory_space<semaphore_mem>>)
    %dma_start3A_28 = arith.constant 128 : i32
    %dma_start3A_29 = tpu.memref_slice %arg6[%dma_start3A_28] : memref<10240xi32, #tpu.memory_space<vmem>> -> memref<128xi32, #tpu.memory_space<vmem>>
    %dma_start3A_30 = arith.constant 0 : i32
    %dma_start3A_31 = arith.constant 0 : i32
    %dma_start3A_32 = tpu.memref_slice %arg2[%dma_start3A_30, %dma_start3A_31] : memref<10000x128xf32, #tpu.memory_space<hbm>> -> memref<10000x128xf32, #tpu.memory_space<hbm>>
    tpu.enqueue_indirect_dma source(%dma_start3A_32 : memref<10000x128xf32, #tpu.memory_space<hbm>>) target(%arg10 : memref<128x128xf32, #tpu.memory_space<vmem>>) offsets(%dma_start3A_29 : memref<128xi32, #tpu.memory_space<vmem>>) semaphore(%arg13 : memref<!tpu.dma_semaphore, #tpu.memory_space<semaphore_mem>>)
    %scan3A = arith.constant 0 : i32
    %scan3A_33 = arith.constant 0 : i32
    %scan3A_34 = arith.constant 39 : i32
    %scan3A_35 = arith.addi %scan3A_33, %scan3A_34 : i32
    %scan3A_36 = arith.constant 1 : i32
    scf.for %scan3A_71 = %scan3A_33 to %scan3A_35 step %scan3A_36  : i32 {
      %mul3A_72 = arith.constant 2 : i32
      %mul3A_73 = arith.muli %mul3A_72, %scan3A_71 : i32
      %mul3A_74 = arith.constant 128 : i32
      %mul3A_75 = arith.muli %mul3A_73, %mul3A_74 : i32
      %dma_wait3A_76 = tpu.memref_slice %arg6[%mul3A_75] : memref<10240xi32, #tpu.memory_space<vmem>> -> memref<128xi32, #tpu.memory_space<vmem>>
      %dma_wait3A_77 = arith.constant 0 : i32
      %dma_wait3A_78 = arith.constant 0 : i32
      %dma_wait3A_79 = tpu.memref_slice %arg2[%dma_wait3A_77, %dma_wait3A_78] : memref<10000x128xf32, #tpu.memory_space<hbm>> -> memref<10000x128xf32, #tpu.memory_space<hbm>>
      tpu.wait_indirect_dma semaphore(%arg12 : memref<!tpu.dma_semaphore, #tpu.memory_space<semaphore_mem>>) src(%dma_wait3A_79 : memref<10000x128xf32, #tpu.memory_space<hbm>>) dst(%arg9 : memref<128x128xf32, #tpu.memory_space<vmem>>)
      %mul3A_80 = arith.constant 10240 : i32
      %mul3A_81 = arith.muli %add3A, %mul3A_80 : i32
      %mul3A_82 = arith.constant 128 : i32
      %mul3A_83 = arith.muli %mul3A_73, %mul3A_82 : i32
      %add3A_84 = arith.addi %mul3A_81, %mul3A_83 : i32
      %dma_wait3A_85 = tpu.memref_slice %arg4[%add3A_84] : memref<327680xi32, #tpu.memory_space<hbm>> -> memref<128xi32, #tpu.memory_space<hbm>>
      %dma_wait3A_86 = tpu.memref_slice %arg4[%add3A_84] : memref<327680xi32, #tpu.memory_space<hbm>> -> memref<128xi32, #tpu.memory_space<hbm>>
      tpu.wait_dma2 semaphore(%arg14 : memref<!tpu.dma_semaphore, #tpu.memory_space<semaphore_mem>>) src(%dma_wait3A_86 : memref<128xi32, #tpu.memory_space<hbm>>) dst(%arg7 : memref<128xi32, #tpu.memory_space<vmem>>)
      "tpu.region"() ({
        %run_scoped3A = tpu.sem_alloc : memref<!tpu.dma_semaphore, #tpu.memory_space<semaphore_mem>>
        %dma_start3A_138 = arith.constant 0 : i32
        %dma_start3A_139 = arith.constant 0 : i32
        %dma_start3A_140 = tpu.memref_slice %arg11[%dma_start3A_138, %dma_start3A_139] : memref<10240x128xf32, #tpu.memory_space<vmem_shared>> -> memref<10240x128xf32, #tpu.memory_space<vmem_shared>>
        tpu.enqueue_indirect_dma source(%arg9 : memref<128x128xf32, #tpu.memory_space<vmem>>) target(%dma_start3A_140 : memref<10240x128xf32, #tpu.memory_space<vmem_shared>>) offsets(%arg7 : memref<128xi32, #tpu.memory_space<vmem>>) semaphore(%run_scoped3A : memref<!tpu.dma_semaphore, #tpu.memory_space<semaphore_mem>>) {add = true}
        %dma_wait3A_141 = arith.constant 0 : i32
        %dma_wait3A_142 = arith.constant 0 : i32
        %dma_wait3A_143 = tpu.memref_slice %arg11[%dma_wait3A_141, %dma_wait3A_142] : memref<10240x128xf32, #tpu.memory_space<vmem_shared>> -> memref<10240x128xf32, #tpu.memory_space<vmem_shared>>
        tpu.wait_indirect_dma semaphore(%run_scoped3A : memref<!tpu.dma_semaphore, #tpu.memory_space<semaphore_mem>>) src(%arg9 : memref<128x128xf32, #tpu.memory_space<vmem>>) dst(%dma_wait3A_143 : memref<10240x128xf32, #tpu.memory_space<vmem_shared>>)
        tpu.yield
      }) : () -> ()
      %add3A_87 = arith.constant 2 : i32
      %add3A_88 = arith.addi %mul3A_73, %add3A_87 : i32
      %mul3A_89 = arith.constant 10240 : i32
      %mul3A_90 = arith.muli %add3A, %mul3A_89 : i32
      %mul3A_91 = arith.constant 128 : i32
      %mul3A_92 = arith.muli %add3A_88, %mul3A_91 : i32
      %add3A_93 = arith.addi %mul3A_90, %mul3A_92 : i32
      %dma_start3A_94 = tpu.memref_slice %arg4[%add3A_93] : memref<327680xi32, #tpu.memory_space<hbm>> -> memref<128xi32, #tpu.memory_space<hbm>>
      %dma_start3A_95 = tpu.memref_slice %arg4[%add3A_93] : memref<327680xi32, #tpu.memory_space<hbm>> -> memref<128xi32, #tpu.memory_space<hbm>>
      tpu.enqueue_dma source(%dma_start3A_95 : memref<128xi32, #tpu.memory_space<hbm>>) target(%arg7 : memref<128xi32, #tpu.memory_space<vmem>>) target_semaphore(%arg14 : memref<!tpu.dma_semaphore, #tpu.memory_space<semaphore_mem>>)
      %add3A_96 = arith.constant 2 : i32
      %add3A_97 = arith.addi %mul3A_73, %add3A_96 : i32
      %mul3A_98 = arith.constant 128 : i32
      %mul3A_99 = arith.muli %add3A_97, %mul3A_98 : i32
      %dma_start3A_100 = tpu.memref_slice %arg6[%mul3A_99] : memref<10240xi32, #tpu.memory_space<vmem>> -> memref<128xi32, #tpu.memory_space<vmem>>
      %dma_start3A_101 = arith.constant 0 : i32
      %dma_start3A_102 = arith.constant 0 : i32
      %dma_start3A_103 = tpu.memref_slice %arg2[%dma_start3A_101, %dma_start3A_102] : memref<10000x128xf32, #tpu.memory_space<hbm>> -> memref<10000x128xf32, #tpu.memory_space<hbm>>
      tpu.enqueue_indirect_dma source(%dma_start3A_103 : memref<10000x128xf32, #tpu.memory_space<hbm>>) target(%arg9 : memref<128x128xf32, #tpu.memory_space<vmem>>) offsets(%dma_start3A_100 : memref<128xi32, #tpu.memory_space<vmem>>) semaphore(%arg12 : memref<!tpu.dma_semaphore, #tpu.memory_space<semaphore_mem>>)
      %add3A_104 = arith.constant 1 : i32
      %add3A_105 = arith.addi %mul3A_73, %add3A_104 : i32
      %mul3A_106 = arith.constant 128 : i32
      %mul3A_107 = arith.muli %add3A_105, %mul3A_106 : i32
      %dma_wait3A_108 = tpu.memref_slice %arg6[%mul3A_107] : memref<10240xi32, #tpu.memory_space<vmem>> -> memref<128xi32, #tpu.memory_space<vmem>>
      %dma_wait3A_109 = arith.constant 0 : i32
      %dma_wait3A_110 = arith.constant 0 : i32
      %dma_wait3A_111 = tpu.memref_slice %arg2[%dma_wait3A_109, %dma_wait3A_110] : memref<10000x128xf32, #tpu.memory_space<hbm>> -> memref<10000x128xf32, #tpu.memory_space<hbm>>
      tpu.wait_indirect_dma semaphore(%arg13 : memref<!tpu.dma_semaphore, #tpu.memory_space<semaphore_mem>>) src(%dma_wait3A_111 : memref<10000x128xf32, #tpu.memory_space<hbm>>) dst(%arg10 : memref<128x128xf32, #tpu.memory_space<vmem>>)
      %add3A_112 = arith.constant 1 : i32
      %add3A_113 = arith.addi %mul3A_73, %add3A_112 : i32
      %mul3A_114 = arith.constant 10240 : i32
      %mul3A_115 = arith.muli %add3A, %mul3A_114 : i32
      %mul3A_116 = arith.constant 128 : i32
      %mul3A_117 = arith.muli %add3A_113, %mul3A_116 : i32
      %add3A_118 = arith.addi %mul3A_115, %mul3A_117 : i32
      %dma_wait3A_119 = tpu.memref_slice %arg4[%add3A_118] : memref<327680xi32, #tpu.memory_space<hbm>> -> memref<128xi32, #tpu.memory_space<hbm>>
      %dma_wait3A_120 = tpu.memref_slice %arg4[%add3A_118] : memref<327680xi32, #tpu.memory_space<hbm>> -> memref<128xi32, #tpu.memory_space<hbm>>
      tpu.wait_dma2 semaphore(%arg15 : memref<!tpu.dma_semaphore, #tpu.memory_space<semaphore_mem>>) src(%dma_wait3A_120 : memref<128xi32, #tpu.memory_space<hbm>>) dst(%arg8 : memref<128xi32, #tpu.memory_space<vmem>>)
      "tpu.region"() ({
        %run_scoped3A = tpu.sem_alloc : memref<!tpu.dma_semaphore, #tpu.memory_space<semaphore_mem>>
        %dma_start3A_138 = arith.constant 0 : i32
        %dma_start3A_139 = arith.constant 0 : i32
        %dma_start3A_140 = tpu.memref_slice %arg11[%dma_start3A_138, %dma_start3A_139] : memref<10240x128xf32, #tpu.memory_space<vmem_shared>> -> memref<10240x128xf32, #tpu.memory_space<vmem_shared>>
        tpu.enqueue_indirect_dma source(%arg10 : memref<128x128xf32, #tpu.memory_space<vmem>>) target(%dma_start3A_140 : memref<10240x128xf32, #tpu.memory_space<vmem_shared>>) offsets(%arg8 : memref<128xi32, #tpu.memory_space<vmem>>) semaphore(%run_scoped3A : memref<!tpu.dma_semaphore, #tpu.memory_space<semaphore_mem>>) {add = true}
        %dma_wait3A_141 = arith.constant 0 : i32
        %dma_wait3A_142 = arith.constant 0 : i32
        %dma_wait3A_143 = tpu.memref_slice %arg11[%dma_wait3A_141, %dma_wait3A_142] : memref<10240x128xf32, #tpu.memory_space<vmem_shared>> -> memref<10240x128xf32, #tpu.memory_space<vmem_shared>>
        tpu.wait_indirect_dma semaphore(%run_scoped3A : memref<!tpu.dma_semaphore, #tpu.memory_space<semaphore_mem>>) src(%arg10 : memref<128x128xf32, #tpu.memory_space<vmem>>) dst(%dma_wait3A_143 : memref<10240x128xf32, #tpu.memory_space<vmem_shared>>)
        tpu.yield
      }) : () -> ()
      %add3A_121 = arith.constant 3 : i32
      %add3A_122 = arith.addi %mul3A_73, %add3A_121 : i32
      %mul3A_123 = arith.constant 10240 : i32
      %mul3A_124 = arith.muli %add3A, %mul3A_123 : i32
      %mul3A_125 = arith.constant 128 : i32
      %mul3A_126 = arith.muli %add3A_122, %mul3A_125 : i32
      %add3A_127 = arith.addi %mul3A_124, %mul3A_126 : i32
      %dma_start3A_128 = tpu.memref_slice %arg4[%add3A_127] : memref<327680xi32, #tpu.memory_space<hbm>> -> memref<128xi32, #tpu.memory_space<hbm>>
      %dma_start3A_129 = tpu.memref_slice %arg4[%add3A_127] : memref<327680xi32, #tpu.memory_space<hbm>> -> memref<128xi32, #tpu.memory_space<hbm>>
      tpu.enqueue_dma source(%dma_start3A_129 : memref<128xi32, #tpu.memory_space<hbm>>) target(%arg8 : memref<128xi32, #tpu.memory_space<vmem>>) target_semaphore(%arg15 : memref<!tpu.dma_semaphore, #tpu.memory_space<semaphore_mem>>)
      %add3A_130 = arith.constant 3 : i32
      %add3A_131 = arith.addi %mul3A_73, %add3A_130 : i32
      %mul3A_132 = arith.constant 128 : i32
      %mul3A_133 = arith.muli %add3A_131, %mul3A_132 : i32
      %dma_start3A_134 = tpu.memref_slice %arg6[%mul3A_133] : memref<10240xi32, #tpu.memory_space<vmem>> -> memref<128xi32, #tpu.memory_space<vmem>>
      %dma_start3A_135 = arith.constant 0 : i32
      %dma_start3A_136 = arith.constant 0 : i32
      %dma_start3A_137 = tpu.memref_slice %arg2[%dma_start3A_135, %dma_start3A_136] : memref<10000x128xf32, #tpu.memory_space<hbm>> -> memref<10000x128xf32, #tpu.memory_space<hbm>>
      tpu.enqueue_indirect_dma source(%dma_start3A_137 : memref<10000x128xf32, #tpu.memory_space<hbm>>) target(%arg10 : memref<128x128xf32, #tpu.memory_space<vmem>>) offsets(%dma_start3A_134 : memref<128xi32, #tpu.memory_space<vmem>>) semaphore(%arg13 : memref<!tpu.dma_semaphore, #tpu.memory_space<semaphore_mem>>)
    }
    %scan3A_37 = arith.constant 39 : i32
    %dma_wait3A_38 = arith.constant 9984 : i32
    %dma_wait3A_39 = tpu.memref_slice %arg6[%dma_wait3A_38] : memref<10240xi32, #tpu.memory_space<vmem>> -> memref<128xi32, #tpu.memory_space<vmem>>
    %dma_wait3A_40 = arith.constant 0 : i32
    %dma_wait3A_41 = arith.constant 0 : i32
    %dma_wait3A_42 = tpu.memref_slice %arg2[%dma_wait3A_40, %dma_wait3A_41] : memref<10000x128xf32, #tpu.memory_space<hbm>> -> memref<10000x128xf32, #tpu.memory_space<hbm>>
    tpu.wait_indirect_dma semaphore(%arg12 : memref<!tpu.dma_semaphore, #tpu.memory_space<semaphore_mem>>) src(%dma_wait3A_42 : memref<10000x128xf32, #tpu.memory_space<hbm>>) dst(%arg9 : memref<128x128xf32, #tpu.memory_space<vmem>>)
    %mul3A_43 = arith.constant 10240 : i32
    %mul3A_44 = arith.muli %add3A, %mul3A_43 : i32
    %add3A_45 = arith.constant 9984 : i32
    %add3A_46 = arith.addi %mul3A_44, %add3A_45 : i32
    %dma_wait3A_47 = tpu.memref_slice %arg4[%add3A_46] : memref<327680xi32, #tpu.memory_space<hbm>> -> memref<128xi32, #tpu.memory_space<hbm>>
    %dma_wait3A_48 = tpu.memref_slice %arg4[%add3A_46] : memref<327680xi32, #tpu.memory_space<hbm>> -> memref<128xi32, #tpu.memory_space<hbm>>
    tpu.wait_dma2 semaphore(%arg14 : memref<!tpu.dma_semaphore, #tpu.memory_space<semaphore_mem>>) src(%dma_wait3A_48 : memref<128xi32, #tpu.memory_space<hbm>>) dst(%arg7 : memref<128xi32, #tpu.memory_space<vmem>>)
    "tpu.region"() ({
      %run_scoped3A = tpu.sem_alloc : memref<!tpu.dma_semaphore, #tpu.memory_space<semaphore_mem>>
      %dma_start3A_71 = arith.constant 0 : i32
      %dma_start3A_72 = arith.constant 0 : i32
      %dma_start3A_73 = tpu.memref_slice %arg11[%dma_start3A_71, %dma_start3A_72] : memref<10240x128xf32, #tpu.memory_space<vmem_shared>> -> memref<10240x128xf32, #tpu.memory_space<vmem_shared>>
      tpu.enqueue_indirect_dma source(%arg9 : memref<128x128xf32, #tpu.memory_space<vmem>>) target(%dma_start3A_73 : memref<10240x128xf32, #tpu.memory_space<vmem_shared>>) offsets(%arg7 : memref<128xi32, #tpu.memory_space<vmem>>) semaphore(%run_scoped3A : memref<!tpu.dma_semaphore, #tpu.memory_space<semaphore_mem>>) {add = true}
      %dma_wait3A_74 = arith.constant 0 : i32
      %dma_wait3A_75 = arith.constant 0 : i32
      %dma_wait3A_76 = tpu.memref_slice %arg11[%dma_wait3A_74, %dma_wait3A_75] : memref<10240x128xf32, #tpu.memory_space<vmem_shared>> -> memref<10240x128xf32, #tpu.memory_space<vmem_shared>>
      tpu.wait_indirect_dma semaphore(%run_scoped3A : memref<!tpu.dma_semaphore, #tpu.memory_space<semaphore_mem>>) src(%arg9 : memref<128x128xf32, #tpu.memory_space<vmem>>) dst(%dma_wait3A_76 : memref<10240x128xf32, #tpu.memory_space<vmem_shared>>)
      tpu.yield
    }) : () -> ()
    %dma_wait3A_49 = arith.constant 10112 : i32
    %dma_wait3A_50 = tpu.memref_slice %arg6[%dma_wait3A_49] : memref<10240xi32, #tpu.memory_space<vmem>> -> memref<128xi32, #tpu.memory_space<vmem>>
    %dma_wait3A_51 = arith.constant 0 : i32
    %dma_wait3A_52 = arith.constant 0 : i32
    %dma_wait3A_53 = tpu.memref_slice %arg2[%dma_wait3A_51, %dma_wait3A_52] : memref<10000x128xf32, #tpu.memory_space<hbm>> -> memref<10000x128xf32, #tpu.memory_space<hbm>>
    tpu.wait_indirect_dma semaphore(%arg13 : memref<!tpu.dma_semaphore, #tpu.memory_space<semaphore_mem>>) src(%dma_wait3A_53 : memref<10000x128xf32, #tpu.memory_space<hbm>>) dst(%arg10 : memref<128x128xf32, #tpu.memory_space<vmem>>)
    %mul3A_54 = arith.constant 10240 : i32
    %mul3A_55 = arith.muli %add3A, %mul3A_54 : i32
    %add3A_56 = arith.constant 10112 : i32
    %add3A_57 = arith.addi %mul3A_55, %add3A_56 : i32
    %dma_wait3A_58 = tpu.memref_slice %arg4[%add3A_57] : memref<327680xi32, #tpu.memory_space<hbm>> -> memref<128xi32, #tpu.memory_space<hbm>>
    %dma_wait3A_59 = tpu.memref_slice %arg4[%add3A_57] : memref<327680xi32, #tpu.memory_space<hbm>> -> memref<128xi32, #tpu.memory_space<hbm>>
    tpu.wait_dma2 semaphore(%arg15 : memref<!tpu.dma_semaphore, #tpu.memory_space<semaphore_mem>>) src(%dma_wait3A_59 : memref<128xi32, #tpu.memory_space<hbm>>) dst(%arg8 : memref<128xi32, #tpu.memory_space<vmem>>)
    "tpu.region"() ({
      %run_scoped3A = tpu.sem_alloc : memref<!tpu.dma_semaphore, #tpu.memory_space<semaphore_mem>>
      %dma_start3A_71 = arith.constant 0 : i32
      %dma_start3A_72 = arith.constant 0 : i32
      %dma_start3A_73 = tpu.memref_slice %arg11[%dma_start3A_71, %dma_start3A_72] : memref<10240x128xf32, #tpu.memory_space<vmem_shared>> -> memref<10240x128xf32, #tpu.memory_space<vmem_shared>>
      tpu.enqueue_indirect_dma source(%arg10 : memref<128x128xf32, #tpu.memory_space<vmem>>) target(%dma_start3A_73 : memref<10240x128xf32, #tpu.memory_space<vmem_shared>>) offsets(%arg8 : memref<128xi32, #tpu.memory_space<vmem>>) semaphore(%run_scoped3A : memref<!tpu.dma_semaphore, #tpu.memory_space<semaphore_mem>>) {add = true}
      %dma_wait3A_74 = arith.constant 0 : i32
      %dma_wait3A_75 = arith.constant 0 : i32
      %dma_wait3A_76 = tpu.memref_slice %arg11[%dma_wait3A_74, %dma_wait3A_75] : memref<10240x128xf32, #tpu.memory_space<vmem_shared>> -> memref<10240x128xf32, #tpu.memory_space<vmem_shared>>
      tpu.wait_indirect_dma semaphore(%run_scoped3A : memref<!tpu.dma_semaphore, #tpu.memory_space<semaphore_mem>>) src(%arg10 : memref<128x128xf32, #tpu.memory_space<vmem>>) dst(%dma_wait3A_76 : memref<10240x128xf32, #tpu.memory_space<vmem_shared>>)
      tpu.yield
    }) : () -> ()
    %barrier3A_60 = arith.constant 0 : index
    tpu.barrier barrier_id(%barrier3A_60)
    %lt3A_61 = arith.constant 15 : i32
    %lt3A_62 = arith.cmpi slt, %arg1, %lt3A_61 : i32
    %convert_element_type3A_63 = arith.extui %lt3A_62 : i1 to i32
    %cond3A_64 = arith.constant 0 : i32
    %cond3A_65 = arith.cmpi ne, %convert_element_type3A_63, %cond3A_64 : i32
    scf.if %cond3A_65 {
      %mul3A_71 = arith.constant 640 : i32
      %mul3A_72 = arith.muli %arg1, %mul3A_71 : i32
      %mul3A_73 = arith.constant 640 : i32
      %mul3A_74 = arith.muli %arg1, %mul3A_73 : i32
      "tpu.region"() ({
        %run_scoped3A = tpu.sem_alloc : memref<!tpu.dma_semaphore, #tpu.memory_space<semaphore_mem>>
        %dma_start3A_75 = arith.constant 0 : i32
        %dma_start3A_76 = tpu.memref_slice %arg5[%arg0, %mul3A_74, %dma_start3A_75] : memref<2x10000x128xf32, #tpu.memory_space<hbm>> -> memref<1x640x128xf32, #tpu.memory_space<hbm>>
        %dma_start3A_77 = tpu.memref_squeeze %dma_start3A_76 : memref<1x640x128xf32, #tpu.memory_space<hbm>> -> memref<640x128xf32, #tpu.memory_space<hbm>>
        %dma_start3A_78 = arith.constant 0 : i32
        %dma_start3A_79 = tpu.memref_slice %arg11[%mul3A_72, %dma_start3A_78] : memref<10240x128xf32, #tpu.memory_space<vmem_shared>> -> memref<640x128xf32, #tpu.memory_space<vmem_shared>>
        tpu.enqueue_dma source(%dma_start3A_79 : memref<640x128xf32, #tpu.memory_space<vmem_shared>>) target(%dma_start3A_77 : memref<640x128xf32, #tpu.memory_space<hbm>>) target_semaphore(%run_scoped3A : memref<!tpu.dma_semaphore, #tpu.memory_space<semaphore_mem>>)
        %dma_wait3A_80 = arith.constant 0 : i32
        %dma_wait3A_81 = tpu.memref_slice %arg5[%arg0, %mul3A_74, %dma_wait3A_80] : memref<2x10000x128xf32, #tpu.memory_space<hbm>> -> memref<1x640x128xf32, #tpu.memory_space<hbm>>
        %dma_wait3A_82 = tpu.memref_squeeze %dma_wait3A_81 : memref<1x640x128xf32, #tpu.memory_space<hbm>> -> memref<640x128xf32, #tpu.memory_space<hbm>>
        %dma_wait3A_83 = arith.constant 0 : i32
        %dma_wait3A_84 = tpu.memref_slice %arg11[%mul3A_72, %dma_wait3A_83] : memref<10240x128xf32, #tpu.memory_space<vmem_shared>> -> memref<640x128xf32, #tpu.memory_space<vmem_shared>>
        tpu.wait_dma2 semaphore(%run_scoped3A : memref<!tpu.dma_semaphore, #tpu.memory_space<semaphore_mem>>) src(%dma_wait3A_84 : memref<640x128xf32, #tpu.memory_space<vmem_shared>>) dst(%dma_wait3A_82 : memref<640x128xf32, #tpu.memory_space<hbm>>)
        tpu.yield
      }) : () -> ()
    } else {
    }
    %eq3A_66 = arith.constant 15 : i32
    %eq3A_67 = arith.cmpi eq, %arg1, %eq3A_66 : i32
    %convert_element_type3A_68 = arith.extui %eq3A_67 : i1 to i32
    %cond3A_69 = arith.constant 0 : i32
    %cond3A_70 = arith.cmpi ne, %convert_element_type3A_68, %cond3A_69 : i32
    scf.if %cond3A_70 {
      "tpu.region"() ({
        %run_scoped3A = tpu.sem_alloc : memref<!tpu.dma_semaphore, #tpu.memory_space<semaphore_mem>>
        %dma_start3A_71 = arith.constant 9600 : i32
        %dma_start3A_72 = arith.constant 0 : i32
        %dma_start3A_73 = tpu.memref_slice %arg5[%arg0, %dma_start3A_71, %dma_start3A_72] : memref<2x10000x128xf32, #tpu.memory_space<hbm>> -> memref<1x400x128xf32, #tpu.memory_space<hbm>>
        %dma_start3A_74 = tpu.memref_squeeze %dma_start3A_73 : memref<1x400x128xf32, #tpu.memory_space<hbm>> -> memref<400x128xf32, #tpu.memory_space<hbm>>
        %dma_start3A_75 = arith.constant 9600 : i32
        %dma_start3A_76 = arith.constant 0 : i32
        %dma_start3A_77 = tpu.memref_slice %arg11[%dma_start3A_75, %dma_start3A_76] : memref<10240x128xf32, #tpu.memory_space<vmem_shared>> -> memref<400x128xf32, #tpu.memory_space<vmem_shared>>
        tpu.enqueue_dma source(%dma_start3A_77 : memref<400x128xf32, #tpu.memory_space<vmem_shared>>) target(%dma_start3A_74 : memref<400x128xf32, #tpu.memory_space<hbm>>) target_semaphore(%run_scoped3A : memref<!tpu.dma_semaphore, #tpu.memory_space<semaphore_mem>>)
        %dma_wait3A_78 = arith.constant 9600 : i32
        %dma_wait3A_79 = arith.constant 0 : i32
        %dma_wait3A_80 = tpu.memref_slice %arg5[%arg0, %dma_wait3A_78, %dma_wait3A_79] : memref<2x10000x128xf32, #tpu.memory_space<hbm>> -> memref<1x400x128xf32, #tpu.memory_space<hbm>>
        %dma_wait3A_81 = tpu.memref_squeeze %dma_wait3A_80 : memref<1x400x128xf32, #tpu.memory_space<hbm>> -> memref<400x128xf32, #tpu.memory_space<hbm>>
        %dma_wait3A_82 = arith.constant 9600 : i32
        %dma_wait3A_83 = arith.constant 0 : i32
        %dma_wait3A_84 = tpu.memref_slice %arg11[%dma_wait3A_82, %dma_wait3A_83] : memref<10240x128xf32, #tpu.memory_space<vmem_shared>> -> memref<400x128xf32, #tpu.memory_space<vmem_shared>>
        tpu.wait_dma2 semaphore(%run_scoped3A : memref<!tpu.dma_semaphore, #tpu.memory_space<semaphore_mem>>) src(%dma_wait3A_84 : memref<400x128xf32, #tpu.memory_space<vmem_shared>>) dst(%dma_wait3A_81 : memref<400x128xf32, #tpu.memory_space<hbm>>)
        tpu.yield
      }) : () -> ()
    } else {
    }
    return
  }
}

module attributes {stable_mosaic.version = 14 : i64} {
  func.func @_mlp_body(%arg0: memref<1xf32, #tpu.memory_space<smem>>, %arg1: memref<10000x128xf32, #tpu.memory_space<vmem>>, %arg2: memref<2x10000x128xf32, #tpu.memory_space<vmem>>, %arg3: memref<128x128xf32, #tpu.memory_space<vmem>>, %arg4: memref<1x128xf32, #tpu.memory_space<vmem>>, %arg5: memref<1x128xf32, #tpu.memory_space<vmem>>, %arg6: memref<1x128xf32, #tpu.memory_space<vmem>>, %arg7: memref<128x128xf32, #tpu.memory_space<vmem>>, %arg8: memref<1x128xf32, #tpu.memory_space<vmem>>, %arg9: memref<1x128xf32, #tpu.memory_space<vmem>>, %arg10: memref<1x128xf32, #tpu.memory_space<vmem>>, %arg11: memref<10000x128xf32, #tpu.memory_space<vmem>>) attributes {dimension_semantics = [], scalar_prefetch = 0 : i64, scratch_operands = 0 : i64, tpu.core_type = #tpu.core_type<tc>} {
    %get3A = arith.constant 0 : index
    %get3A_0 = memref.load %arg0[%get3A] : memref<1xf32, #tpu.memory_space<smem>>
    %get3A_1 = arith.constant 0 : index
    %get3A_2 = arith.constant 0 : index
    %get3A_3 = arith.constant 0 : index
    %get3A_4 = vector.load %arg2[%get3A_1, %get3A_2, %get3A_3] : memref<2x10000x128xf32, #tpu.memory_space<vmem>>, vector<1x10000x128xf32>
    %get3A_5 = vector.shape_cast %get3A_4 : vector<1x10000x128xf32> to vector<10000x128xf32>
    %get3A_6 = arith.constant 1 : index
    %get3A_7 = arith.constant 0 : index
    %get3A_8 = arith.constant 0 : index
    %get3A_9 = vector.load %arg2[%get3A_6, %get3A_7, %get3A_8] : memref<2x10000x128xf32, #tpu.memory_space<vmem>>, vector<1x10000x128xf32>
    %get3A_10 = vector.shape_cast %get3A_9 : vector<1x10000x128xf32> to vector<10000x128xf32>
    %add3A = arith.addf %get3A_5, %get3A_10 : vector<10000x128xf32>
    %sub3A = arith.constant 1.000000e+00 : f32
    %sub3A_11 = arith.subf %get3A_0, %sub3A : f32
    %get3A_12 = arith.constant 0 : index
    %get3A_13 = arith.constant 0 : index
    %get3A_14 = vector.load %arg1[%get3A_12, %get3A_13] : memref<10000x128xf32, #tpu.memory_space<vmem>>, vector<10000x128xf32>
    %mul3A = vector.broadcast %sub3A_11 : f32 to vector<10000x128xf32>
    %mul3A_15 = arith.mulf %mul3A, %get3A_14 : vector<10000x128xf32>
    %add3A_16 = arith.addf %add3A, %mul3A_15 : vector<10000x128xf32>
    %get3A_17 = arith.constant 0 : index
    %get3A_18 = arith.constant 0 : index
    %get3A_19 = vector.load %arg3[%get3A_17, %get3A_18] : memref<128x128xf32, #tpu.memory_space<vmem>>, vector<128x128xf32>
    %dot_general3A = arith.constant dense<0.000000e+00> : vector<10000x128xf32>
    %dot_general3A_20 = tpu.matmul %add3A_16, %get3A_19, %dot_general3A {dimension_numbers = #tpu.dot_dimension_numbers<[1], [1], [0], [0], [0, 0, 1, 0], [], []>, transpose_lhs_hint = false} : vector<10000x128xf32>, vector<128x128xf32>, vector<10000x128xf32> -> vector<10000x128xf32>
    %get3A_21 = arith.constant 0 : index
    %get3A_22 = arith.constant 0 : index
    %get3A_23 = vector.load %arg4[%get3A_21, %get3A_22] : memref<1x128xf32, #tpu.memory_space<vmem>>, vector<1x128xf32>
    %add3A_24 = vector.broadcast %get3A_23 : vector<1x128xf32> to vector<10000x128xf32>
    %add3A_25 = arith.addf %dot_general3A_20, %add3A_24 : vector<10000x128xf32>
    %reduce_sum3A = arith.constant dense<0.000000e+00> : vector<128xf32>
    %reduce_sum3A_26 = vector.multi_reduction <add>, %add3A_25, %reduce_sum3A [0] : vector<10000x128xf32> to vector<128xf32>
    %broadcast_in_dim3A = vector.shape_cast %reduce_sum3A_26 : vector<128xf32> to vector<1x128xf32>
    %div3A = arith.constant 1.000000e+04 : f32
    %div3A_27 = vector.broadcast %div3A : f32 to vector<1x128xf32>
    %div3A_28 = arith.divf %broadcast_in_dim3A, %div3A_27 : vector<1x128xf32>
    %sub3A_29 = vector.broadcast %div3A_28 : vector<1x128xf32> to vector<10000x128xf32>
    %sub3A_30 = arith.subf %add3A_25, %sub3A_29 : vector<10000x128xf32>
    %integer_pow3A = arith.mulf %sub3A_30, %sub3A_30 : vector<10000x128xf32>
    %reduce_sum3A_31 = arith.constant dense<0.000000e+00> : vector<128xf32>
    %reduce_sum3A_32 = vector.multi_reduction <add>, %integer_pow3A, %reduce_sum3A_31 [0] : vector<10000x128xf32> to vector<128xf32>
    %broadcast_in_dim3A_33 = vector.shape_cast %reduce_sum3A_32 : vector<128xf32> to vector<1x128xf32>
    %div3A_34 = arith.constant 1.000000e+04 : f32
    %div3A_35 = vector.broadcast %div3A_34 : f32 to vector<1x128xf32>
    %div3A_36 = arith.divf %broadcast_in_dim3A_33, %div3A_35 : vector<1x128xf32>
    %sub3A_37 = vector.broadcast %div3A_28 : vector<1x128xf32> to vector<10000x128xf32>
    %sub3A_38 = arith.subf %add3A_25, %sub3A_37 : vector<10000x128xf32>
    %add3A_39 = arith.constant 9.99999974E-6 : f32
    %add3A_40 = vector.broadcast %add3A_39 : f32 to vector<1x128xf32>
    %add3A_41 = arith.addf %div3A_36, %add3A_40 : vector<1x128xf32>
    %sqrt3A = math.sqrt %add3A_41 : vector<1x128xf32>
    %div3A_42 = vector.broadcast %sqrt3A : vector<1x128xf32> to vector<10000x128xf32>
    %div3A_43 = arith.divf %sub3A_38, %div3A_42 : vector<10000x128xf32>
    %get3A_44 = arith.constant 0 : index
    %get3A_45 = arith.constant 0 : index
    %get3A_46 = vector.load %arg5[%get3A_44, %get3A_45] : memref<1x128xf32, #tpu.memory_space<vmem>>, vector<1x128xf32>
    %mul3A_47 = vector.broadcast %get3A_46 : vector<1x128xf32> to vector<10000x128xf32>
    %mul3A_48 = arith.mulf %div3A_43, %mul3A_47 : vector<10000x128xf32>
    %get3A_49 = arith.constant 0 : index
    %get3A_50 = arith.constant 0 : index
    %get3A_51 = vector.load %arg6[%get3A_49, %get3A_50] : memref<1x128xf32, #tpu.memory_space<vmem>>, vector<1x128xf32>
    %add3A_52 = vector.broadcast %get3A_51 : vector<1x128xf32> to vector<10000x128xf32>
    %add3A_53 = arith.addf %mul3A_48, %add3A_52 : vector<10000x128xf32>
    %max3A = arith.constant 0.000000e+00 : f32
    %max3A_54 = vector.broadcast %max3A : f32 to vector<10000x128xf32>
    %max3A_55 = arith.maximumf %add3A_53, %max3A_54 : vector<10000x128xf32>
    %get3A_56 = arith.constant 0 : index
    %get3A_57 = arith.constant 0 : index
    %get3A_58 = vector.load %arg7[%get3A_56, %get3A_57] : memref<128x128xf32, #tpu.memory_space<vmem>>, vector<128x128xf32>
    %dot_general3A_59 = arith.constant dense<0.000000e+00> : vector<10000x128xf32>
    %dot_general3A_60 = tpu.matmul %max3A_55, %get3A_58, %dot_general3A_59 {dimension_numbers = #tpu.dot_dimension_numbers<[1], [1], [0], [0], [0, 0, 1, 0], [], []>, transpose_lhs_hint = false} : vector<10000x128xf32>, vector<128x128xf32>, vector<10000x128xf32> -> vector<10000x128xf32>
    %get3A_61 = arith.constant 0 : index
    %get3A_62 = arith.constant 0 : index
    %get3A_63 = vector.load %arg8[%get3A_61, %get3A_62] : memref<1x128xf32, #tpu.memory_space<vmem>>, vector<1x128xf32>
    %add3A_64 = vector.broadcast %get3A_63 : vector<1x128xf32> to vector<10000x128xf32>
    %add3A_65 = arith.addf %dot_general3A_60, %add3A_64 : vector<10000x128xf32>
    %reduce_sum3A_66 = arith.constant dense<0.000000e+00> : vector<128xf32>
    %reduce_sum3A_67 = vector.multi_reduction <add>, %add3A_65, %reduce_sum3A_66 [0] : vector<10000x128xf32> to vector<128xf32>
    %broadcast_in_dim3A_68 = vector.shape_cast %reduce_sum3A_67 : vector<128xf32> to vector<1x128xf32>
    %div3A_69 = arith.constant 1.000000e+04 : f32
    %div3A_70 = vector.broadcast %div3A_69 : f32 to vector<1x128xf32>
    %div3A_71 = arith.divf %broadcast_in_dim3A_68, %div3A_70 : vector<1x128xf32>
    %sub3A_72 = vector.broadcast %div3A_71 : vector<1x128xf32> to vector<10000x128xf32>
    %sub3A_73 = arith.subf %add3A_65, %sub3A_72 : vector<10000x128xf32>
    %integer_pow3A_74 = arith.mulf %sub3A_73, %sub3A_73 : vector<10000x128xf32>
    %reduce_sum3A_75 = arith.constant dense<0.000000e+00> : vector<128xf32>
    %reduce_sum3A_76 = vector.multi_reduction <add>, %integer_pow3A_74, %reduce_sum3A_75 [0] : vector<10000x128xf32> to vector<128xf32>
    %broadcast_in_dim3A_77 = vector.shape_cast %reduce_sum3A_76 : vector<128xf32> to vector<1x128xf32>
    %div3A_78 = arith.constant 1.000000e+04 : f32
    %div3A_79 = vector.broadcast %div3A_78 : f32 to vector<1x128xf32>
    %div3A_80 = arith.divf %broadcast_in_dim3A_77, %div3A_79 : vector<1x128xf32>
    %sub3A_81 = vector.broadcast %div3A_71 : vector<1x128xf32> to vector<10000x128xf32>
    %sub3A_82 = arith.subf %add3A_65, %sub3A_81 : vector<10000x128xf32>
    %add3A_83 = arith.constant 9.99999974E-6 : f32
    %add3A_84 = vector.broadcast %add3A_83 : f32 to vector<1x128xf32>
    %add3A_85 = arith.addf %div3A_80, %add3A_84 : vector<1x128xf32>
    %sqrt3A_86 = math.sqrt %add3A_85 : vector<1x128xf32>
    %div3A_87 = vector.broadcast %sqrt3A_86 : vector<1x128xf32> to vector<10000x128xf32>
    %div3A_88 = arith.divf %sub3A_82, %div3A_87 : vector<10000x128xf32>
    %get3A_89 = arith.constant 0 : index
    %get3A_90 = arith.constant 0 : index
    %get3A_91 = vector.load %arg9[%get3A_89, %get3A_90] : memref<1x128xf32, #tpu.memory_space<vmem>>, vector<1x128xf32>
    %mul3A_92 = vector.broadcast %get3A_91 : vector<1x128xf32> to vector<10000x128xf32>
    %mul3A_93 = arith.mulf %div3A_88, %mul3A_92 : vector<10000x128xf32>
    %get3A_94 = arith.constant 0 : index
    %get3A_95 = arith.constant 0 : index
    %get3A_96 = vector.load %arg10[%get3A_94, %get3A_95] : memref<1x128xf32, #tpu.memory_space<vmem>>, vector<1x128xf32>
    %add3A_97 = vector.broadcast %get3A_96 : vector<1x128xf32> to vector<10000x128xf32>
    %add3A_98 = arith.addf %mul3A_93, %add3A_97 : vector<10000x128xf32>
    %max3A_99 = arith.constant 0.000000e+00 : f32
    %max3A_100 = vector.broadcast %max3A_99 : f32 to vector<10000x128xf32>
    %max3A_101 = arith.maximumf %add3A_98, %max3A_100 : vector<10000x128xf32>
    %swap3A = arith.constant 0 : index
    %swap3A_102 = arith.constant 0 : index
    %swap3A_103 = vector.load %arg11[%swap3A, %swap3A_102] : memref<10000x128xf32, #tpu.memory_space<vmem>>, vector<10000x128xf32>
    tpu.vector_store %arg11[%swap3A, %swap3A_102], %max3A_101 {strides = array<i32>} : memref<10000x128xf32, #tpu.memory_space<vmem>>, vector<10000x128xf32>,
    return
  }
}

</mosaic_0001>

<sc_bundles>
// kernel: kernel.4.cloned.1.call-start
scs
__scs_entry_jumppad:
0x0: {  	(pc) =	sbr.rel $0x88, $3  }
0x1: {  	(tag) =	ssettag $0x0;
	lr =	simm.s32 $0x1  }
0x2: {  	[smem:$0x3F96] =	sst lr;
	_ =	strace $0xD0000000  }
0x3: {  	_ = 	snop  }
0x4: {  	_ = 	snop  }
0x5: {  	_ = 	snop  }
0x6: {  	_ = 	snop  }
0x7: {  	_ = 	snop  }
__scs_overlays_trampoline_lowered:
0x8: {  	[smem:$0x3FA5] =	sst s0  }
0x9: {  	[smem:$0x3FA6] =	sst s1  }
0xa: {  	[smem:$0x3FA7] =	sst s2  }
0xb: {  	[smem:$0x3FA8] =	sst s3  }
0xc: {  	[smem:$0x3FA9] =	sst s4  }
0xd: {  	[smem:$0x3FAA] =	sst s5  }
0xe: {  	[smem:$0x3FAB] =	sst s6  }
0xf: {  	[smem:$0x3FAC] =	sst s7  }
0x10: {  	[smem:$0x3FAD] =	sst s8  }
0x11: {  	[smem:$0x3FAE] =	sst s9;
	s0 =	simm.s32 @!p0 $0x0  }
0x12: {  	s1 =	sld [smem:$0x3F94];
	s0 =	simm.s32 @p0 $0x1  }
0x13: {  	[smem:$0x3FAF] =	sst s0;
	s0 =	simm.s32 @!p1 $0x0  }
0x14: {  	s2 =	sld [smem:$0x3F93];
	s0 =	simm.s32 @p1 $0x1  }
0x15: {  	[smem:$0x3FB0] =	sst s0;
	s0 =	simm.s32 @!p2 $0x0  }
0x16: {  	s3 =	sld [smem:$0x3FDB];
	s0 =	simm.s32 @p2 $0x1  }
0x17: {  	s4 =	simm.s32 $0x1BF5;
	[smem:$0x3FB2] =	sst s0  }
0x18: {  	s0 =	sld [smem:$0x3F95];
	_ =	swait.ge [sflag:s4], $0x0  }
0x19: {  	s7 =	sld [smem:$0x3F96]  }
0x1a: {  	s8 =	sadd.s32 $0xFFFFE003, lr  }
0x1b: {  	s9 =	sadd.s32 $0xFFFFFEF7, lr;
	s5 =	simm.s32 $0xFFFFFFFF;
	p2 =	slt.u32 s8, $0xFFFFF086  }
0x1c: {  	p1 =	slt.u32 s9, $0xF7A;
	s5 =	simm.s32 @!p2 $0x0  }
0x1d: {  	s5 =	simm.s32 @p1 $0x1;
	p0 =	seq.s32 s7, s2  }
0x1e: {  	s7 =	smul.u32 @!p0 $0xF7A, s2;
	p2 =	seq.s32 @!p0 s5, $0x0  }
0x1f: {  	s9 =	smul.u32 $0xF7A, s1;
	s8 =	simm.s32 @!p0 $0x1BF5;
	p2 =	por !p2, p0  }
0x20: {  	[sflag:s8] =	ssyncset.s32 @!p0 $0xFFFFF086;
	s6 =	sadd.s32 @!p0 s3, s7;
	s7 =	simm.s32 @!p0 $0x108  }
0x21: {  	s3 =	sadd.s32 s3, s9;
	s6 =	sadd.s32 @!p0 $0x88, s6;
	s7 =	simm.s32 @p2 $0x1082  }
0x22: {  	[simem:s7], [sflag:s8] =	dma.local @!p0 [hbm:s6], $0xF7A  }
0x23: {  	s9 =	sor.u32 $0xD0000000, s2;
	s6 =	simm.s32 $0x108;
	_ =	swait.ge @!p0 [sflag:s8], $0x0  }
0x24: {  	s3 =	sadd.s32 $0x88, s3;
	s6 =	simm.s32 @!p1 $0x1082;
	[sflag:s4] =	ssyncset.s32 $0xFFFFF086  }
0x25: {  	[simem:s6], [sflag:s4] =	dma.local [hbm:s3], $0xF7A  }
0x26: {  	[smem:$0x3F96] =	sst s1;
	(tag) =	ssettag s2;
	_ =	strace s9  }
0x27: {  	s1 =	sld [smem:$0x3FA6]  }
0x28: {  	s2 =	sld [smem:$0x3FA7]  }
0x29: {  	s4 =	sld [smem:$0x3FA9]  }
0x2a: {  	p0 =	seq.s32 s5, $0x0;
	s5 =	sld [smem:$0x3FAA]  }
0x2b: {  	s6 =	sld [smem:$0x3FAB]  }
0x2c: {  	s7 =	sld [smem:$0x3FAC]  }
0x2d: {  	s3 =	simm.s32 $0x108;
	s8 =	sld [smem:$0x3FAD]  }
0x2e: {  	s3 =	simm.s32 @!p0 $0x1082;
	s9 =	sld [smem:$0x3FAE]  }
0x2f: {  	lr =	sadd.s32 s0, s3;
	s0 =	sld [smem:$0x3FA5]  }
0x30: {  	s3 =	sld [smem:$0x3FA8]  }
0x31: {  	[smem:$0x3FB1] =	sst s10  }
0x32: {  	s10 =	sld [smem:$0x3FAF];
	_ =	sdelay $0x3  }
0x33: {  	p0 =	seq.s32 s10, $0x1;
	s10 =	sld [smem:$0x3FB1];
	_ =	sdelay $0x3  }
0x34: {  	[smem:$0x3FB1] =	sst s10  }
0x35: {  	s10 =	sld [smem:$0x3FB0];
	_ =	sdelay $0x3  }
0x36: {  	p1 =	seq.s32 s10, $0x1;
	s10 =	sld [smem:$0x3FB1];
	_ =	sdelay $0x3  }
0x37: {  	[smem:$0x3FB1] =	sst s10  }
0x38: {  	s10 =	sld [smem:$0x3FB2]  }
0x39: {  	_ = 	snop;
	(pc) =	sbr.ind lr, $3  }
0x3a: {  	_ = 	snop  }
0x3b: {  	_ = 	snop  }
0x3c: {  	p2 =	seq.s32 s10, $0x1;
	s10 =	sld [smem:$0x3FB1]  }
0x3d: {  	_ =	shalt  }
0x3e: {  	_ =	shalt  }
0x3f: {  	_ =	shalt  }
0x40: {  	_ =	shalt  }
0x41: {  	_ =	shalt  }
0x42: {  	_ =	shalt  }
0x43: {  	_ =	shalt  }
0x44: {  	_ =	shalt  }
0x45: {  	_ =	shalt  }
0x46: {  	_ =	shalt  }
0x47: {  	_ =	shalt  }
0x48: {  	_ =	shalt  }
0x49: {  	_ =	shalt  }
0x4a: {  	_ =	shalt  }
0x4b: {  	_ =	shalt  }
0x4c: {  	_ =	shalt  }
0x4d: {  	_ =	shalt  }
0x4e: {  	_ =	shalt  }
0x4f: {  	_ =	shalt  }
0x50: {  	_ =	shalt  }
0x51: {  	_ =	shalt  }
0x52: {  	_ =	shalt  }
0x53: {  	_ =	shalt  }
0x54: {  	_ =	shalt  }
0x55: {  	_ =	shalt  }
0x56: {  	_ =	shalt  }
0x57: {  	_ =	shalt  }
0x58: {  	_ =	shalt  }
0x59: {  	_ =	shalt  }
0x5a: {  	_ =	shalt  }
0x5b: {  	_ =	shalt  }
0x5c: {  	_ =	shalt  }
0x5d: {  	_ =	shalt  }
0x5e: {  	_ =	shalt  }
0x5f: {  	_ =	shalt  }
0x60: {  	_ =	shalt  }
0x61: {  	_ =	shalt  }
0x62: {  	_ =	shalt  }
0x63: {  	_ =	shalt  }
0x64: {  	_ =	shalt  }
0x65: {  	_ =	shalt  }
0x66: {  	_ =	shalt  }
0x67: {  	_ =	shalt  }
0x68: {  	_ =	shalt  }
0x69: {  	_ =	shalt  }
0x6a: {  	_ =	shalt  }
0x6b: {  	_ =	shalt  }
0x6c: {  	_ =	shalt  }
0x6d: {  	_ =	shalt  }
0x6e: {  	_ =	shalt  }
0x6f: {  	_ =	shalt  }
0x70: {  	_ =	shalt  }
0x71: {  	_ =	shalt  }
0x72: {  	_ =	shalt  }
0x73: {  	_ =	shalt  }
0x74: {  	_ =	shalt  }
0x75: {  	_ =	shalt  }
0x76: {  	_ =	shalt  }
0x77: {  	_ =	shalt  }
0x78: {  	_ =	shalt  }
0x79: {  	_ =	shalt  }
0x7a: {  	_ =	shalt  }
0x7b: {  	_ =	shalt  }
0x7c: {  	_ =	shalt  }
0x7d: {  	_ =	shalt  }
0x7e: {  	_ =	shalt  }
0x7f: {  	_ =	shalt  }
0x80: {  	_ =	shalt  }
0x81: {  	_ =	shalt  }
0x82: {  	_ =	shalt  }
0x83: {  	_ =	shalt  }
0x84: {  	_ =	shalt  }
0x85: {  	_ =	shalt  }
0x86: {  	_ =	shalt  }
0x87: {  	_ =	shalt  }
.Lfunc_end0:
.L_simem_size_0:
called_computation_lowered:
.L_overlay_start_0:
0x88: {  	s2 =	sld [smem:$0x3FD9]  }
0x89: {  	s3 =	sld [smem:$0x3FFE];
	_ =	sdelay $0x1  }
0x8a: {  	s1 =	srdreg.scid  }
0x8b: {  	s0 =	sand.u32 $0x1, s1  }
0x8c: {  	s17 =	sshll.u32 s0, $0xA;
	s2 =	sadd.s32 s3, s2  }
0x8d: {  	s2 =	sadd.s32 s2, s17  }
0x8e: {  	[smem:$0x3FBD] =	sst s2  }
0x8f: {  	_ = 	snop  }
0x90: {  	s2 =	sld [smem:$0x3FC9]  }
0x91: {  	s18 =	sld [smem:$0x3FD0];
	(tm) =	ssettm $0x1  }
0x92: {  	s4 =	sld [smem:$0x3FFB];
	_ =	sdelay $0x3  }
0x93: {  	_ =	strace s4  }
0x94: {  	s4 =	sld [smem:$0x3FFC];
	_ =	sdelay $0x3  }
0x95: {  	_ =	strace s4  }
0x96: {  	s4 =	sld [smem:$0x3FFD];
	_ =	sdelay $0x3  }
0x97: {  	_ =	strace s4  }
0x98: {  	_ =	strace $0x8FFFFFFF  }
0x99: {  	s19 =	sld [smem:$0x3FDB];
	_ =	sdelay $0x1  }
0x9a: {  	s5 =	simm.s32 $_scs_section_size  }
0x9b: {  	s6 =	simm.s32 $_size__tile_overlayer_lowered;
	s7 =	simm.s32 $_tile_overlayer_lowered  }
0x9c: {  	s22 =	simm.s32 $0x1BFF;
	s21 =	sshll.u32 s7, $0x1;
	s4 =	sadd.s32 s5, s19  }
0x9d: {  	s8 =	simm.s32 $0x0;
	s20 =	sshll.u32 s6, $0x1;
	s6 =	sadd.s32 s21, s4  }
0x9e: {  	[timem:s8], [sflag:s22] =	dma.local [hbm:s6], s20  }
0x9f: {  	_ =	swait.ge [sflag:s22], s20  }
0xa0: {  	s5 =	ssub.s32 $0x0, s20;
	[sflag:s22] =	ssyncset.done $0x0  }
0xa1: {  	[sflag:s22] =	ssyncadd.s32 s5;
	_ =	sdelay $0x1  }
0xa2: {  	s23 =	simm.s32 $0x1B8B  }
0xa3: {  	_ =	swait.ge [sflag:s23], $0x1  }
0xa4: {  	[sflag:s23] =	ssyncset.done $0x0  }
0xa5: {  	s25 =	simm.s32 $0x1B8E;
	s24 =	sld [smem:$0x3FFE];
	[sflag:s23] =	ssyncadd.s32 $0xFFFFFFFF  }
0xa6: {  	s26 =	simm.s32 $execute0_lowered;
	[smem:$0x3FD2] =	sst s25  }
0xa7: {  	s6 =	sshll.u32 s26, $0x1;
	_ =	strace $0x80000046;
	[dreg:$0x1] =	wrdreg $0xFFFFFFFF  }
0xa8: {  	s28 =	simm.s32 $_size_execute0_lowered;
	s4 =	sadd.s32 s4, s6;
	[dreg:$0x0] =	wrdreg $0x0  }
0xa9: {  	s6 =	sshll.u32 s28, $0x1;
	[dreg:$0x2] =	wrdreg s4  }
0xaa: {  	[dreg:$0x3] =	wrdreg s6  }
0xab: {  	[dreg:$0x4] =	wrdreg $0xC0  }
0xac: {  	_ =	task [dreg:s8], $0x5FFFF  }
0xad: {  	[dreg:$0x1] =	wrdreg $0xFFFFFFFF  }
0xae: {  	[dreg:$0x0] =	wrdreg $0x60  }
0xaf: {  	[dreg:$0x2] =	wrdreg s2  }
0xb0: {  	[dreg:$0x3] =	wrdreg s18  }
0xb1: {  	[dreg:$0x4] =	wrdreg s24  }
0xb2: {  	[dreg:$0x5] =	wrdreg $0xA9000  }
0xb3: {  	[dreg:$0x6] =	wrdreg $0x9  }
0xb4: {  	_ =	task.clear_ibuf [dreg:s8], $0x7FFFF;
	_ =	strace $0x90000046  }
0xb5: {  	s29 =	simm.s32 $0x9;
	_ =	strace $0x80000048  }
0xb6: {  	_ =	swait.ge [sflag:s29], $0x1  }
0xb7: {  	[sflag:s29] =	ssyncadd.s32 $0xFFFFFFFF  }
0xb8: {  	_ =	strace $0x90000048  }
0xb9: {  	_ =	sfence  }
0xba: {  	s30 =	sld [smem:$0x0];
	_ =	sdelay $0x2  }
0xbb: {  	s31 =	sshll.u32 s1, $0xD;
	s1 =	sshrl.u32 s1, $0x2  }
0xbc: {  	s3 =	sand.u32 $0x4000, s31;
	s1 =	sadd.s32 s1, s30  }
0xbd: {  	s0 =	sor.u32 s3, s0;
	s1 =	sshll.u32 s1, $0x11  }
0xbe: {  	s0 =	sor.u32 s1, s0  }
0xbf: {  	s0 =	sadd.s32 $0x8F2B, s0  }
0xc0: {  	[sflag:s0] =	ssyncadd.remote.s32 $0x1  }
0xc1: {  	_ =	sfence.sel $0xFFFF  }
0xc2: {  	[dreg:$0x0] =	wrdreg $0xFFFFFFFF;
	(pc) =	sbr.abs _section_cstart, $3  }
0xc3: {  	[dreg:$0x1] =	wrdreg $0xFFFFFFFF  }
0xc4: {  	_ =	task.clear_ibuf [dreg:s8], $0x2FFFF;
	_ =	strace $0x9FFFFFFF  }
0xc5: {  	(tm) =	ssettm $0x7FFFFFFF  }
tec
execute0_lowered:
.L_overlay_start_1:
0x0: {  	(tag) =	ssettag $0x1  }
0x1: {  	s1 =	rddreg [dreg:$0x0]  }
0x2: {  	s0 =	rddreg [dreg:$0x1]  }
0x3: {  	s3 =	rddreg [dreg:$0x2]  }
0x4: {  	s2 =	rddreg [dreg:$0x3];
	s5 =	srdreg.scid  }
0x5: {  	s4 =	simm.s32 $0x0;
	s17 =	stileid.u32;
	s18 =	simm.s32 $0x5  }
0x6: {  	s19 =	simm.s32 $0x2800;
	s20 =	simm.s32 $0x2880;
	s21 =	simm.s32 $0x80  }
0x7: {  	s22 =	simm.s32 $0x2900;
	s28 =	simm.s32 $0x2;
	s29 =	simm.s32 $0x4  }
0x8: {  	s30 =	simm.s32 $0x0;
	s9 =	sand.u32 $0x1, s5;
	s8 =	smul.u32 $0x50000, s17  }
0x9: {  	[smem:$0x7FF] =	sst s4;
	s14 =	sadd.s32 $0x1A00, s3;
	s13 =	smul.u32 $0x2800, s17  }
0xa: {  	s3 =	sadd.s32 $0xBA00, s3;
	s15 =	smul.u32 $0x14000, s17;
	s16 =	sadd.s32 $0x12C000, s2  }
0xb: {  	p0 =	seq.s32 s17, $0xF;
	s5 =	sshll.u32 s9, $0x4;
	s11 =	smul.u32 $0x138800, s9  }
0xc: {  	_ =	strace $0x80000047;
	s6 =	ssub.s32 $0x2, s9;
	s26 =	smul.u32 $0x28000, s9  }
0xd: {  	s5 =	sor.u32 s17, s5;
	s7 =	sshrl.u32 s6, $0x1;
	s23 =	sshrl.u32 s8, $0x2  }
0xe: {  	s24 =	sadd.s32 s1, s13;
	s5 =	smul.u32 $0x2800, s5;
	s12 =	ssub.s32 s6, s7  }
0xf: {  	[dreg:$0x6] =	wrdreg s24;
	s7 =	sadd.s32 $0x25800, s1;
	s25 =	sadd.s32 s15, s11  }
0x10: {  	s11 =	sshrl.u32 s11, $0x3;
	s31 =	sadd.s32 s13, s26;
	s15 =	sshrl.u32 @p0 s16, $0x3  }
0x11: {  	s24 =	simm.s32 $0x1;
	s26 =	simm.s32 $0x6;
	s11 =	sadd.s32 s3, s11  }
0x12: {  	s12 =	smax.u32 s12, $0x1;
	s13 =	sor.u32 $0x180, s31;
	s10 =	sshrl.u32 s5, $0x3  }
0x13: {  	s11 =	sadd.s32 $0x25800, s11;
	s13 =	sshrl.u32 s13, $0x3;
	s0 =	sadd.s32 s0, s10  }
0x14: {  	s8 =	sadd.s32 s14, s10;
	s10 =	sshrl.u32 s25, $0x3;
	s13 =	sadd.s32 s13, s14  }
0x15: {  	s25 =	simm.s32 $0x3;
	s10 =	sadd.s32 s3, s10;
	s3 =	sor.u32 $0x100, s31  }
0x16: {  	[dreg:$0x5] =	wrdreg s0;
	s0 =	sadd.s32 s23, s2;
	s3 =	sshrl.u32 s3, $0x3  }
0x17: {  	s9 =	sadd.s32 $0x10, s8;
	s14 =	sadd.s32 s3, s14;
	s3 =	sshll.u32 @!p0 s17, $0x6  }
0x18: {  	s23 =	simm.s32 $0x6900;
	s17 =	sshrl.u32 @!p0 s0, $0x3;
	s16 =	sor.u32 @!p0 $0x1C06, s3  }
.LBB2_1:
0x19: {  	s0 =	rddreg [dreg:$0x5]  }
0x1a: {  	[tilespmem:s4], [sflag:$0x5] =	stream.linear.gather [hbm4b:s0+s4], $0x2800, $0x38;
	[tilespmem:$0x1E900] =	vst v63  }
0x1b: {  	s0 =	simm.s32 @p0 $0x1FC6  }
0x1c: {  	[spmem:s15], [sflag:s0] =	dma.local @p0 [hbm:s7], $0x1900  }
0x1d: {  	s0 =	simm.s32 @p0 $0x6  }
0x1e: {  	_ =	swait.ge @p0 [sflag:s0], $0x1900  }
0x1f: {  	[sflag:s0] =	ssyncset.done @p0 $0x0  }
0x20: {  	[sflag:s0] =	ssyncadd.s32 @p0 $0xFFFFE700;
	s0 =	rddreg [dreg:$0x6]  }
0x21: {  	[spmem:s17], [sflag:s16] =	dma.local @!p0 [hbm:s0], $0x2800  }
0x22: {  	s0 =	simm.s32 @!p0 $0x6  }
0x23: {  	_ =	swait.ge @!p0 [sflag:s0], $0x2800  }
0x24: {  	[sflag:s0] =	ssyncset.done @!p0 $0x0  }
0x25: {  	[sflag:s0] =	ssyncadd.s32 @!p0 $0xFFFFD800  }
0x26: {  	_ =	swait.ge [sflag:s18], $0x2800  }
0x27: {  	[sflag:s18] =	ssyncset.done $0x0  }
0x28: {  	[sflag:s18] =	ssyncadd.s32 $0xFFFFD800  }
0x29: {  	[bflag:$0x0] =	sbarrier.arrive $0xFFFF  }
0x2a: {  	[tilespmem:s19], [sflag:$0x3] =	stream.linear.gather [hbm4b:s8+s4], $0x80, $0x38;
	[tilespmem:$0x1E900] =	vst v63  }
0x2b: {  	_ = 	snop  }
0x2c: {  	[tilespmem:s20], [sflag:$0x4] =	stream.linear.gather [hbm4b:s9+s4], $0x80, $0x38;
	[tilespmem:$0x1E900] =	vst v63  }
0x2d: {  	_ = 	snop  }
0x2e: {  	[tilespmem:s22], [sflag:$0x1] =	stream.indirect.gather [hbm4b:s1+s21], $0x80, s4, s21, $0xb8;
	[tilespmem:$0x1E900] =	vst v63  }
0x2f: {  	_ = 	snop  }
0x30: {  	[tilespmem:s23], [sflag:$0x2] =	stream.indirect.gather [hbm4b:s1+s21], $0x80, s21, s21, $0xb8;
	[tilespmem:$0x1E900] =	vst v63  }
0x31: {  	_ =	swait.ge [sflag:s24], $0x4000  }
0x32: {  	[sflag:s24] =	ssyncset.done $0x0  }
0x33: {  	[sflag:s24] =	ssyncadd.s32 $0xFFFFC000  }
0x34: {  	_ =	swait.ge [sflag:s25], $0x80  }
0x35: {  	[sflag:s25] =	ssyncset.done $0x0  }
0x36: {  	[sflag:s25] =	ssyncadd.s32 $0xFFFFFF80  }
0x37: {  	[spmem:s2] =	stream.indirect.scatter.add.f32 [tilespmem:s22], [sflag:$0x6], $0x80, s19, s21, $0xb8;
	[tilespmem:$0x1E900] =	vst v63  }
0x38: {  	_ =	swait.ge [sflag:s26], $0x4000  }
0x39: {  	[sflag:s26] =	ssyncset.done $0x0  }
0x3a: {  	s3 =	sadd.s32 $0x0, s14;
	[sflag:s26] =	ssyncadd.s32 $0xFFFFC000  }
0x3b: {  	[tilespmem:s19], [sflag:$0x3] =	stream.linear.gather [hbm4b:s3+s4], $0x80, $0x38;
	[tilespmem:$0x1E900] =	vst v63  }
0x3c: {  	s5 =	simm.s32 $0x100  }
0x3d: {  	[tilespmem:s22], [sflag:$0x1] =	stream.indirect.gather [hbm4b:s1+s21], $0x80, s5, s21, $0xb8;
	[tilespmem:$0x1E900] =	vst v63  }
0x3e: {  	_ =	swait.ge [sflag:s28], $0x4000  }
0x3f: {  	[sflag:s28] =	ssyncset.done $0x0  }
0x40: {  	[sflag:s28] =	ssyncadd.s32 $0xFFFFC000  }
0x41: {  	_ =	swait.ge [sflag:s29], $0x80  }
0x42: {  	[sflag:s29] =	ssyncset.done $0x0  }
0x43: {  	[sflag:s29] =	ssyncadd.s32 $0xFFFFFF80  }
0x44: {  	[spmem:s2] =	stream.indirect.scatter.add.f32 [tilespmem:s23], [sflag:$0x6], $0x80, s20, s21, $0xb8;
	[tilespmem:$0x1E900] =	vst v63  }
0x45: {  	_ =	swait.ge [sflag:s26], $0x4000  }
0x46: {  	s6 =	sadd.s32 $0x0, s13;
	s31 =	simm.s32 $0x180;
	[sflag:s26] =	ssyncset.done $0x0  }
0x47: {  	s0 =	simm.s32 $0x20;
	s3 =	simm.s32 $0x280;
	[sflag:s26] =	ssyncadd.s32 $0xFFFFC000  }
0x48: {  	[tilespmem:s20], [sflag:$0x4] =	stream.linear.gather [hbm4b:s6+s4], $0x80, $0x38;
	[tilespmem:$0x1E900] =	vst v63  }
.LBB2_2:
0x49: {  	[tilespmem:s23], [sflag:$0x2] =	stream.indirect.gather [hbm4b:s1+s21], $0x80, s31, s21, $0xb8;
	[tilespmem:$0x1E900] =	vst v63  }
0x4a: {  	s5 =	smov.u32 s0;
	s31 =	smov.u32 s3  }
0x4b: {  	p1 =	sne.s32 s0, $0x4C0;
	s0 =	sadd.s32 $0x20, s0;
	_ =	swait.ge [sflag:s24], $0x4000  }
0x4c: {  	[sflag:s24] =	ssyncset.done $0x0  }
0x4d: {  	[sflag:s24] =	ssyncadd.s32 $0xFFFFC000  }
0x4e: {  	_ =	swait.ge [sflag:s25], $0x80  }
0x4f: {  	[sflag:s25] =	ssyncset.done $0x0  }
0x50: {  	[sflag:s25] =	ssyncadd.s32 $0xFFFFFF80  }
0x51: {  	[spmem:s2] =	stream.indirect.scatter.add.f32 [tilespmem:s22], [sflag:$0x6], $0x80, s19, s21, $0xb8;
	[tilespmem:$0x1E900] =	vst v63  }
0x52: {  	_ =	swait.ge [sflag:s26], $0x4000  }
0x53: {  	[sflag:s26] =	ssyncset.done $0x0  }
0x54: {  	s6 =	sadd.s32 s5, s14;
	[sflag:s26] =	ssyncadd.s32 $0xFFFFC000  }
0x55: {  	[tilespmem:s19], [sflag:$0x3] =	stream.linear.gather [hbm4b:s6+s4], $0x80, $0x38;
	[tilespmem:$0x1E900] =	vst v63  }
0x56: {  	s6 =	sadd.s32 $0xFFFFFF80, s3  }
0x57: {  	[tilespmem:s22], [sflag:$0x1] =	stream.indirect.gather [hbm4b:s1+s21], $0x80, s6, s21, $0xb8;
	[tilespmem:$0x1E900] =	vst v63  }
0x58: {  	_ =	swait.ge [sflag:s28], $0x4000  }
0x59: {  	[sflag:s28] =	ssyncset.done $0x0  }
0x5a: {  	[sflag:s28] =	ssyncadd.s32 $0xFFFFC000  }
0x5b: {  	_ =	swait.ge [sflag:s29], $0x80  }
0x5c: {  	[sflag:s29] =	ssyncset.done $0x0  }
0x5d: {  	[sflag:s29] =	ssyncadd.s32 $0xFFFFFF80  }
0x5e: {  	[spmem:s2] =	stream.indirect.scatter.add.f32 [tilespmem:s23], [sflag:$0x6], $0x80, s20, s21, $0xb8;
	[tilespmem:$0x1E900] =	vst v63  }
.Ltmp0:
0x5f: {  	_ =	swait.ge [sflag:s26], $0x4000;
	(pc) =	sbr.rel @p1 .LBB2_2-.Ltmp0, $4  }
0x60: {  	[sflag:s26] =	ssyncset.done $0x0  }
0x61: {  	s5 =	sadd.s32 s5, s13;
	[sflag:s26] =	ssyncadd.s32 $0xFFFFC000  }
0x62: {  	[tilespmem:s20], [sflag:$0x4] =	stream.linear.gather [hbm4b:s5+s4], $0x80, $0x38;
	[tilespmem:$0x1E900] =	vst v63  }
0x63: {  	s3 =	sadd.s32 $0x100, s3  }
0x64: {  	[tilespmem:s23], [sflag:$0x2] =	stream.indirect.gather [hbm4b:s1+s21], $0x80, s31, s21, $0xb8;
	[tilespmem:$0x1E900] =	vst v63  }
0x65: {  	_ =	swait.ge [sflag:s24], $0x4000  }
0x66: {  	[sflag:s24] =	ssyncset.done $0x0  }
0x67: {  	[sflag:s24] =	ssyncadd.s32 $0xFFFFC000  }
0x68: {  	_ =	swait.ge [sflag:s25], $0x80  }
0x69: {  	[sflag:s25] =	ssyncset.done $0x0  }
0x6a: {  	[sflag:s25] =	ssyncadd.s32 $0xFFFFFF80  }
0x6b: {  	[spmem:s2] =	stream.indirect.scatter.add.f32 [tilespmem:s22], [sflag:$0x6], $0x80, s19, s21, $0xb8;
	[tilespmem:$0x1E900] =	vst v63  }
0x6c: {  	_ =	swait.ge [sflag:s26], $0x4000  }
0x6d: {  	[sflag:s26] =	ssyncset.done $0x0  }
0x6e: {  	[sflag:s26] =	ssyncadd.s32 $0xFFFFC000  }
0x6f: {  	_ =	swait.ge [sflag:s28], $0x4000  }
0x70: {  	[sflag:s28] =	ssyncset.done $0x0  }
0x71: {  	[sflag:s28] =	ssyncadd.s32 $0xFFFFC000  }
0x72: {  	_ =	swait.ge [sflag:s29], $0x80  }
0x73: {  	[sflag:s29] =	ssyncset.done $0x0  }
0x74: {  	[sflag:s29] =	ssyncadd.s32 $0xFFFFFF80  }
0x75: {  	[spmem:s2] =	stream.indirect.scatter.add.f32 [tilespmem:s23], [sflag:$0x6], $0x80, s20, s21, $0xb8;
	[tilespmem:$0x1E900] =	vst v63  }
0x76: {  	_ =	swait.ge [sflag:s26], $0x4000  }
0x77: {  	[sflag:s26] =	ssyncset.done $0x0  }
0x78: {  	[sflag:s26] =	ssyncadd.s32 $0xFFFFC000  }
0x79: {  	s0 =	simm.s32 @p0 $0x1FC6;
	[bflag:$0x0] =	sbarrier.arrive $0xFFFF  }
0x7a: {  	[hbm:s11], [sflag:s0] =	dma.local @p0 [spmem:s15], $0x1900  }
0x7b: {  	s0 =	simm.s32 @p0 $0x6  }
0x7c: {  	s30 =	sadd.s32 $0x1, s30;
	_ =	swait.ge @p0 [sflag:s0], $0x1900  }
0x7d: {  	p1 =	sne.s32 s30, s12;
	[sflag:s0] =	ssyncset.done @p0 $0x0  }
.Ltmp1:
0x7e: {  	[sflag:s0] =	ssyncadd.s32 @p0 $0xFFFFE700;
	s0 =	simm.s32 @!p0 $0x6;
	(pc) =	sbr.rel @p1 .LBB2_1-.Ltmp1, $4  }
0x7f: {  	[hbm:s10], [sflag:s16] =	dma.local @!p0 [spmem:s17], $0x2800  }
0x80: {  	_ =	swait.ge @!p0 [sflag:s0], $0x2800  }
0x81: {  	[sflag:s0] =	ssyncset.done @!p0 $0x0  }
0x82: {  	[sflag:s0] =	ssyncadd.s32 @!p0 $0xFFFFD800  }
0x83: {  	_ =	sfence.sel $0x180000  }
0x84: {  	[bflag:$0x0] =	sbarrier.arrive $0xFFFF  }
0x85: {  	_ =	strace $0x90000047  }
0x86: {  	s0 =	stileid.u32;
	[bflag:$0x2] =	sbarrier.arrive $0xFFFF  }
0x87: {  	p0 =	sne.s32 s0, $0x0;
	s0 =	rddreg [dreg:$0x4]  }
0x88: {  	s0 =	sadd.s32 @!p0 $0x100000, s0  }
0x89: {  	[sflag:s0] =	ssyncadd.tile.s32 @!p0 $0x1;
	_ =	shalt  }
.Lfunc_end2:
_tile_overlayer_lowered:
.L_overlay_start_2:
0x8a: {  	(tag) =	ssettag $0x2  }
0x8b: {  	s0 =	rddreg [dreg:$0x0];
	s2 =	stileid.u32  }
0x8c: {  	s1 =	rddreg [dreg:$0x1];
	p0 =	sne.s32 s2, $0x0  }
0x8d: {  	s3 =	rddreg [dreg:$0x2];
	[bflag:$0x3] =	sbarrier.arrive $0xFFFF;
	s2 =	simm.s32 @!p0 $0x1C06  }
0x8e: {  	[timem:s3], [sflag:s2] =	dma.local @!p0 [hbm:s0], s1  }
0x8f: {  	s0 =	simm.s32 @!p0 $0x6  }
0x90: {  	_ =	swait.ge @!p0 [sflag:s0], s1  }
0x91: {  	s1 =	ssub.s32 @!p0 $0x0, s1;
	[sflag:s0] =	ssyncset.done @!p0 $0x0  }
0x92: {  	[sflag:s0] =	ssyncadd.s32 @!p0 s1  }
0x93: {  	[bflag:$0x3] =	sbarrier.arrive $0xFFFF  }
0x94: {  	_ =	shalt  }

</sc_bundles>
